<compile_context>
chip_gen: v7x
topology: tpu7x:2x2x1
jax: 0.10.2.dev20260603
libtpu: 0.0.44.dev20260713+nightly
codegen_flags: <defaults>
</compile_context>

<pallas_src>
import functools

import jax
import jax.numpy as jnp
from jax import lax
from jax.experimental import pallas as pl
from jax.experimental.pallas import tpu as pltpu
from jax.experimental.pallas import tpu_sc as plsc

_NUM_CORES = 2
_NUM_SUBCORES = 16
_NUM_WORKERS = _NUM_CORES * _NUM_SUBCORES

_TBLK = 7


def _sc_gather(label, cls_ctx):
    b = label.shape[0]
    n_ctx, d = cls_ctx.shape[1], cls_ctx.shape[2]
    bpw = b // _NUM_WORKERS

    mesh = plsc.VectorSubcoreMesh(core_axis_name="c", subcore_axis_name="s")

    @functools.partial(
        pl.kernel,
        mesh=mesh,
        out_type=jax.ShapeDtypeStruct((b, n_ctx, d), jnp.float32),
        scratch_types=[
            pltpu.VMEM((bpw,), jnp.int32),
            pltpu.VMEM((bpw, n_ctx, d), jnp.float32),
            pltpu.SemaphoreType.DMA,
        ],
    )
    def body(label_hbm, table_hbm, out_hbm, idx_v, rows_v, sem):
        wid = lax.axis_index("s") * _NUM_CORES + lax.axis_index("c")
        base = wid * bpw
        pltpu.sync_copy(label_hbm.at[pl.ds(base, bpw)], idx_v)
        pltpu.async_copy(table_hbm.at[idx_v], rows_v, sem).wait()
        pltpu.sync_copy(rows_v, out_hbm.at[pl.ds(base, bpw)])

    return body(label, cls_ctx)


def _tc_fill_suffix(suffix_t, b, tok):
    suf, _, d = suffix_t.shape
    lead = tok - suf
    grid = (tok // _TBLK - 1,)

    def body(suf_ref, out_ref):
        i = pl.program_id(0)
        for k in range(_TBLK):
            row = suf_ref[pl.ds((i + 1) * _TBLK + k - lead, 1)]
            out_ref[k] = jnp.broadcast_to(row[0], (b, d))

    return pl.pallas_call(
        body,
        grid=grid,
        in_specs=[pl.BlockSpec((suf, 1, d), lambda i: (0, 0, 0))],
        out_specs=pl.BlockSpec((_TBLK, b, d), lambda i: (i + 1, 0, 0)),
        out_shape=jax.ShapeDtypeStruct((tok, b, d), jnp.float32),
    )(suffix_t)


def _tc_fill_head(partial, cls, token_prefix, suffix_t):
    tok, b, d = partial.shape
    n_ctx = cls.shape[1]
    pre = token_prefix.shape[1]
    lead = pre + n_ctx

    nb = 8
    bb = b // nb

    def body(cls_ref, pre_ref, suf_ref, partial_ref, out_ref):
        del partial_ref
        out_ref[0] = jnp.broadcast_to(pre_ref[0], (bb, d))
        for t in range(1, lead):
            out_ref[t] = cls_ref[:, t - 1, :]
        for k in range(lead, _TBLK):
            out_ref[k] = jnp.broadcast_to(suf_ref[k - lead, 0], (bb, d))

    return pl.pallas_call(
        body,
        grid=(nb,),
        in_specs=[
            pl.BlockSpec((bb, n_ctx, d), lambda i: (i, 0, 0)),
            pl.BlockSpec((1, pre, d), lambda i: (0, 0, 0)),
            pl.BlockSpec((_TBLK - lead, 1, d), lambda i: (0, 0, 0)),
            pl.BlockSpec(memory_space=pl.ANY),
        ],
        out_specs=pl.BlockSpec((_TBLK, bb, d), lambda i: (0, i, 0)),
        out_shape=jax.ShapeDtypeStruct((tok, b, d), jnp.float32),
        input_output_aliases={3: 0},
    )(cls, token_prefix, suffix_t, partial)


def kernel(label, cls_ctx, token_prefix, token_suffix):
    b = label.shape[0]
    tok = token_prefix.shape[1] + cls_ctx.shape[1] + token_suffix.shape[1]
    cls = _sc_gather(label, cls_ctx)
    suffix_t = jnp.transpose(token_suffix, (1, 0, 2))
    partial = _tc_fill_suffix(suffix_t, b, tok)
    out_t = _tc_fill_head(partial, cls, token_prefix, suffix_t)
    return jnp.transpose(out_t, (1, 0, 2))

# --- scband reference (transcript-rebuilt; emitter-appended) ---
"""Pipeline reference for scband-prompt-learner-42545946034622 (READ-ONLY COPY).

The authoritative reference and input builder live on the scoring server;
editing this copy changes nothing except your own understanding.
"""

import jax, jax.numpy as jnp
import numpy as np

NUM_CLASS = 100000
N_CTX = 4
CTX_DIM = 512
PREFIX_LEN = 1
SUFFIX_LEN = 77 - PREFIX_LEN - N_CTX


def setup_inputs(seed: int = 0) -> dict:
    key = jax.random.key(seed)
    k1, k2, k3, k4 = jax.random.split(key, 4)
    label = jax.random.randint(k1, (1024,), 0, NUM_CLASS, dtype=jnp.int64 if jax.config.jax_enable_x64 else jnp.int32).astype(jnp.int32)
    cls_ctx = jax.random.normal(k2, (NUM_CLASS, N_CTX, CTX_DIM), dtype=jnp.float32) * 0.02
    token_prefix = jax.random.normal(k3, (1, PREFIX_LEN, CTX_DIM), dtype=jnp.float32) * 0.02
    token_suffix = jax.random.normal(k4, (1, SUFFIX_LEN, CTX_DIM), dtype=jnp.float32) * 0.02
    return {"label": label, "cls_ctx": cls_ctx, "token_prefix": token_prefix, "token_suffix": token_suffix}


def reference(label, cls_ctx, token_prefix, token_suffix):
    # cls_ctx[label] : embedding lookup of per-class learned context tokens
    cls = jnp.take(cls_ctx, label, axis=0)          # [B, N_CTX, CTX_DIM]
    b = label.shape[0]
    prefix = jnp.broadcast_to(token_prefix, (b, token_prefix.shape[1], token_prefix.shape[2]))
    suffix = jnp.broadcast_to(token_suffix, (b, token_suffix.shape[1], token_suffix.shape[2]))
    prompts = jnp.concatenate([prefix, cls, suffix], axis=1)  # [B, 77, CTX_DIM]
    return prompts

if __name__ == "__main__":
    import jax
    _d = setup_inputs()
    print(jax.jit(kernel)(*tuple(_d.values())))

</pallas_src>

<mosaic_0001>
#map = affine_map<(d0, d1) -> (0)>
#map1 = affine_map<(d0, d1) -> (0, 0, 0)>
module attributes {stable_mosaic.version = 14 : i64} {
  func.func @body(%arg0: i32, %arg1: i32, %arg2: memref<1024xi32, #tpu.memory_space<hbm>>, %arg3: memref<100000x4x512xf32, #tpu.memory_space<hbm>>, %arg4: memref<1024x4x512xf32, #tpu.memory_space<hbm>>, %arg5: memref<32xi32, #tpu.memory_space<vmem>>, %arg6: memref<32x4x512xf32, #tpu.memory_space<vmem>>, %arg7: memref<!tpu.dma_semaphore, #tpu.memory_space<semaphore_mem>>) attributes {dimension_semantics = [#tpu.dimension_semantics<core_parallel>, #tpu.dimension_semantics<subcore_parallel>], iteration_bounds = array<i64: 2, 16>, scalar_prefetch = 0 : i64, scratch_operands = 3 : i64, tpu.core_type = #tpu.core_type<sc_vector_subcore>, window_params = [{transform_indices = #map}, {transform_indices = #map1}, {transform_indices = #map1}]} {
    %mul3A = arith.constant 2 : i32
    %mul3A_0 = arith.muli %arg1, %mul3A : i32
    %add3A = arith.addi %mul3A_0, %arg0 : i32
    %mul3A_1 = arith.constant 32 : i32
    %mul3A_2 = arith.muli %add3A, %mul3A_1 : i32
    "tpu.region"() ({
      %run_scoped3A = tpu.sem_alloc : memref<!tpu.dma_semaphore, #tpu.memory_space<semaphore_mem>>
      %dma_start3A_9 = tpu.memref_slice %arg2[%mul3A_2] : memref<1024xi32, #tpu.memory_space<hbm>> -> memref<32xi32, #tpu.memory_space<hbm>>
      %dma_start3A_10 = tpu.memref_slice %arg2[%mul3A_2] : memref<1024xi32, #tpu.memory_space<hbm>> -> memref<32xi32, #tpu.memory_space<hbm>>
      tpu.enqueue_dma source(%dma_start3A_10 : memref<32xi32, #tpu.memory_space<hbm>>) target(%arg5 : memref<32xi32, #tpu.memory_space<vmem>>) target_semaphore(%run_scoped3A : memref<!tpu.dma_semaphore, #tpu.memory_space<semaphore_mem>>)
      %dma_wait3A_11 = tpu.memref_slice %arg2[%mul3A_2] : memref<1024xi32, #tpu.memory_space<hbm>> -> memref<32xi32, #tpu.memory_space<hbm>>
      %dma_wait3A_12 = tpu.memref_slice %arg2[%mul3A_2] : memref<1024xi32, #tpu.memory_space<hbm>> -> memref<32xi32, #tpu.memory_space<hbm>>
      tpu.wait_dma2 semaphore(%run_scoped3A : memref<!tpu.dma_semaphore, #tpu.memory_space<semaphore_mem>>) src(%dma_wait3A_12 : memref<32xi32, #tpu.memory_space<hbm>>) dst(%arg5 : memref<32xi32, #tpu.memory_space<vmem>>)
      tpu.yield
    }) : () -> ()
    %dma_start3A = arith.constant 0 : i32
    %dma_start3A_3 = arith.constant 0 : i32
    %dma_start3A_4 = arith.constant 0 : i32
    %dma_start3A_5 = tpu.memref_slice %arg3[%dma_start3A, %dma_start3A_3, %dma_start3A_4] : memref<100000x4x512xf32, #tpu.memory_space<hbm>> -> memref<100000x4x512xf32, #tpu.memory_space<hbm>>
    tpu.enqueue_indirect_dma source(%dma_start3A_5 : memref<100000x4x512xf32, #tpu.memory_space<hbm>>) target(%arg6 : memref<32x4x512xf32, #tpu.memory_space<vmem>>) offsets(%arg5 : memref<32xi32, #tpu.memory_space<vmem>>) semaphore(%arg7 : memref<!tpu.dma_semaphore, #tpu.memory_space<semaphore_mem>>)
    %dma_wait3A = arith.constant 0 : i32
    %dma_wait3A_6 = arith.constant 0 : i32
    %dma_wait3A_7 = arith.constant 0 : i32
    %dma_wait3A_8 = tpu.memref_slice %arg3[%dma_wait3A, %dma_wait3A_6, %dma_wait3A_7] : memref<100000x4x512xf32, #tpu.memory_space<hbm>> -> memref<100000x4x512xf32, #tpu.memory_space<hbm>>
    tpu.wait_indirect_dma semaphore(%arg7 : memref<!tpu.dma_semaphore, #tpu.memory_space<semaphore_mem>>) src(%dma_wait3A_8 : memref<100000x4x512xf32, #tpu.memory_space<hbm>>) dst(%arg6 : memref<32x4x512xf32, #tpu.memory_space<vmem>>)
    "tpu.region"() ({
      %run_scoped3A = tpu.sem_alloc : memref<!tpu.dma_semaphore, #tpu.memory_space<semaphore_mem>>
      %dma_start3A_9 = arith.constant 0 : i32
      %dma_start3A_10 = arith.constant 0 : i32
      %dma_start3A_11 = tpu.memref_slice %arg4[%mul3A_2, %dma_start3A_9, %dma_start3A_10] : memref<1024x4x512xf32, #tpu.memory_space<hbm>> -> memref<32x4x512xf32, #tpu.memory_space<hbm>>
      %dma_start3A_12 = arith.constant 0 : i32
      %dma_start3A_13 = arith.constant 0 : i32
      %dma_start3A_14 = tpu.memref_slice %arg4[%mul3A_2, %dma_start3A_12, %dma_start3A_13] : memref<1024x4x512xf32, #tpu.memory_space<hbm>> -> memref<32x4x512xf32, #tpu.memory_space<hbm>>
      tpu.enqueue_dma source(%arg6 : memref<32x4x512xf32, #tpu.memory_space<vmem>>) target(%dma_start3A_14 : memref<32x4x512xf32, #tpu.memory_space<hbm>>) target_semaphore(%run_scoped3A : memref<!tpu.dma_semaphore, #tpu.memory_space<semaphore_mem>>)
      %dma_wait3A_15 = arith.constant 0 : i32
      %dma_wait3A_16 = arith.constant 0 : i32
      %dma_wait3A_17 = tpu.memref_slice %arg4[%mul3A_2, %dma_wait3A_15, %dma_wait3A_16] : memref<1024x4x512xf32, #tpu.memory_space<hbm>> -> memref<32x4x512xf32, #tpu.memory_space<hbm>>
      %dma_wait3A_18 = arith.constant 0 : i32
      %dma_wait3A_19 = arith.constant 0 : i32
      %dma_wait3A_20 = tpu.memref_slice %arg4[%mul3A_2, %dma_wait3A_18, %dma_wait3A_19] : memref<1024x4x512xf32, #tpu.memory_space<hbm>> -> memref<32x4x512xf32, #tpu.memory_space<hbm>>
      tpu.wait_dma2 semaphore(%run_scoped3A : memref<!tpu.dma_semaphore, #tpu.memory_space<semaphore_mem>>) src(%arg6 : memref<32x4x512xf32, #tpu.memory_space<vmem>>) dst(%dma_wait3A_20 : memref<32x4x512xf32, #tpu.memory_space<hbm>>)
      tpu.yield
    }) : () -> ()
    return
  }
}

module attributes {stable_mosaic.version = 14 : i64} {
  func.func @body(%arg0: i32, %arg1: memref<72x1x512xf32, #tpu.memory_space<vmem>>, %arg2: memref<7x1024x512xf32, #tpu.memory_space<vmem>>) attributes {dimension_semantics = [#tpu.dimension_semantics<arbitrary>], iteration_bounds = array<i64: 10>, scalar_prefetch = 0 : i64, scratch_operands = 0 : i64, tpu.core_type = #tpu.core_type<tc>, window_params = [{pipeline_mode = #tpu.pipeline_mode<synchronous>, transform_indices = @transform_0, window_bounds = array<i64: 72, 1, 512>}, {transform_indices = @transform_1, window_bounds = array<i64: 7, 1024, 512>}]} {
    %add3A = arith.constant 1 : i32
    %add3A_0 = arith.addi %arg0, %add3A : i32
    %mul3A = arith.constant 7 : i32
    %mul3A_1 = arith.muli %add3A_0, %mul3A : i32
    %add3A_2 = arith.constant 0 : i32
    %add3A_3 = arith.addi %mul3A_1, %add3A_2 : i32
    %sub3A = arith.constant 5 : i32
    %sub3A_4 = arith.subi %add3A_3, %sub3A : i32
    %get3A = arith.index_cast %sub3A_4 : i32 to index
    %get3A_5 = arith.constant 0 : index
    %get3A_6 = arith.constant 0 : index
    %get3A_7 = vector.load %arg1[%get3A, %get3A_5, %get3A_6] : memref<72x1x512xf32, #tpu.memory_space<vmem>>, vector<1x1x512xf32>
    %squeeze3A = vector.shape_cast %get3A_7 : vector<1x1x512xf32> to vector<1x512xf32>
    %broadcast_in_dim3A = vector.shape_cast %squeeze3A : vector<1x512xf32> to vector<1x512xf32>
    %broadcast_in_dim3A_8 = vector.broadcast %broadcast_in_dim3A : vector<1x512xf32> to vector<1024x512xf32>
    %swap3A = arith.constant 0 : index
    %swap3A_9 = arith.constant 0 : index
    %swap3A_10 = arith.constant 0 : index
    %swap3A_11 = vector.load %arg2[%swap3A, %swap3A_9, %swap3A_10] : memref<7x1024x512xf32, #tpu.memory_space<vmem>>, vector<1x1024x512xf32>
    %swap3A_12 = vector.shape_cast %swap3A_11 : vector<1x1024x512xf32> to vector<1024x512xf32>
    %swap3A_13 = vector.shape_cast %broadcast_in_dim3A_8 : vector<1024x512xf32> to vector<1x1024x512xf32>
    tpu.vector_store %arg2[%swap3A, %swap3A_9, %swap3A_10], %swap3A_13 {strides = array<i32>} : memref<7x1024x512xf32, #tpu.memory_space<vmem>>, vector<1x1024x512xf32>,
    %add3A_14 = arith.constant 1 : i32
    %add3A_15 = arith.addi %arg0, %add3A_14 : i32
    %mul3A_16 = arith.constant 7 : i32
    %mul3A_17 = arith.muli %add3A_15, %mul3A_16 : i32
    %add3A_18 = arith.constant 1 : i32
    %add3A_19 = arith.addi %mul3A_17, %add3A_18 : i32
    %sub3A_20 = arith.constant 5 : i32
    %sub3A_21 = arith.subi %add3A_19, %sub3A_20 : i32
    %get3A_22 = arith.index_cast %sub3A_21 : i32 to index
    %get3A_23 = arith.constant 0 : index
    %get3A_24 = arith.constant 0 : index
    %get3A_25 = vector.load %arg1[%get3A_22, %get3A_23, %get3A_24] : memref<72x1x512xf32, #tpu.memory_space<vmem>>, vector<1x1x512xf32>
    %squeeze3A_26 = vector.shape_cast %get3A_25 : vector<1x1x512xf32> to vector<1x512xf32>
    %broadcast_in_dim3A_27 = vector.shape_cast %squeeze3A_26 : vector<1x512xf32> to vector<1x512xf32>
    %broadcast_in_dim3A_28 = vector.broadcast %broadcast_in_dim3A_27 : vector<1x512xf32> to vector<1024x512xf32>
    %swap3A_29 = arith.constant 1 : index
    %swap3A_30 = arith.constant 0 : index
    %swap3A_31 = arith.constant 0 : index
    %swap3A_32 = vector.load %arg2[%swap3A_29, %swap3A_30, %swap3A_31] : memref<7x1024x512xf32, #tpu.memory_space<vmem>>, vector<1x1024x512xf32>
    %swap3A_33 = vector.shape_cast %swap3A_32 : vector<1x1024x512xf32> to vector<1024x512xf32>
    %swap3A_34 = vector.shape_cast %broadcast_in_dim3A_28 : vector<1024x512xf32> to vector<1x1024x512xf32>
    tpu.vector_store %arg2[%swap3A_29, %swap3A_30, %swap3A_31], %swap3A_34 {strides = array<i32>} : memref<7x1024x512xf32, #tpu.memory_space<vmem>>, vector<1x1024x512xf32>,
    %add3A_35 = arith.constant 1 : i32
    %add3A_36 = arith.addi %arg0, %add3A_35 : i32
    %mul3A_37 = arith.constant 7 : i32
    %mul3A_38 = arith.muli %add3A_36, %mul3A_37 : i32
    %add3A_39 = arith.constant 2 : i32
    %add3A_40 = arith.addi %mul3A_38, %add3A_39 : i32
    %sub3A_41 = arith.constant 5 : i32
    %sub3A_42 = arith.subi %add3A_40, %sub3A_41 : i32
    %get3A_43 = arith.index_cast %sub3A_42 : i32 to index
    %get3A_44 = arith.constant 0 : index
    %get3A_45 = arith.constant 0 : index
    %get3A_46 = vector.load %arg1[%get3A_43, %get3A_44, %get3A_45] : memref<72x1x512xf32, #tpu.memory_space<vmem>>, vector<1x1x512xf32>
    %squeeze3A_47 = vector.shape_cast %get3A_46 : vector<1x1x512xf32> to vector<1x512xf32>
    %broadcast_in_dim3A_48 = vector.shape_cast %squeeze3A_47 : vector<1x512xf32> to vector<1x512xf32>
    %broadcast_in_dim3A_49 = vector.broadcast %broadcast_in_dim3A_48 : vector<1x512xf32> to vector<1024x512xf32>
    %swap3A_50 = arith.constant 2 : index
    %swap3A_51 = arith.constant 0 : index
    %swap3A_52 = arith.constant 0 : index
    %swap3A_53 = vector.load %arg2[%swap3A_50, %swap3A_51, %swap3A_52] : memref<7x1024x512xf32, #tpu.memory_space<vmem>>, vector<1x1024x512xf32>
    %swap3A_54 = vector.shape_cast %swap3A_53 : vector<1x1024x512xf32> to vector<1024x512xf32>
    %swap3A_55 = vector.shape_cast %broadcast_in_dim3A_49 : vector<1024x512xf32> to vector<1x1024x512xf32>
    tpu.vector_store %arg2[%swap3A_50, %swap3A_51, %swap3A_52], %swap3A_55 {strides = array<i32>} : memref<7x1024x512xf32, #tpu.memory_space<vmem>>, vector<1x1024x512xf32>,
    %add3A_56 = arith.constant 1 : i32
    %add3A_57 = arith.addi %arg0, %add3A_56 : i32
    %mul3A_58 = arith.constant 7 : i32
    %mul3A_59 = arith.muli %add3A_57, %mul3A_58 : i32
    %add3A_60 = arith.constant 3 : i32
    %add3A_61 = arith.addi %mul3A_59, %add3A_60 : i32
    %sub3A_62 = arith.constant 5 : i32
    %sub3A_63 = arith.subi %add3A_61, %sub3A_62 : i32
    %get3A_64 = arith.index_cast %sub3A_63 : i32 to index
    %get3A_65 = arith.constant 0 : index
    %get3A_66 = arith.constant 0 : index
    %get3A_67 = vector.load %arg1[%get3A_64, %get3A_65, %get3A_66] : memref<72x1x512xf32, #tpu.memory_space<vmem>>, vector<1x1x512xf32>
    %squeeze3A_68 = vector.shape_cast %get3A_67 : vector<1x1x512xf32> to vector<1x512xf32>
    %broadcast_in_dim3A_69 = vector.shape_cast %squeeze3A_68 : vector<1x512xf32> to vector<1x512xf32>
    %broadcast_in_dim3A_70 = vector.broadcast %broadcast_in_dim3A_69 : vector<1x512xf32> to vector<1024x512xf32>
    %swap3A_71 = arith.constant 3 : index
    %swap3A_72 = arith.constant 0 : index
    %swap3A_73 = arith.constant 0 : index
    %swap3A_74 = vector.load %arg2[%swap3A_71, %swap3A_72, %swap3A_73] : memref<7x1024x512xf32, #tpu.memory_space<vmem>>, vector<1x1024x512xf32>
    %swap3A_75 = vector.shape_cast %swap3A_74 : vector<1x1024x512xf32> to vector<1024x512xf32>
    %swap3A_76 = vector.shape_cast %broadcast_in_dim3A_70 : vector<1024x512xf32> to vector<1x1024x512xf32>
    tpu.vector_store %arg2[%swap3A_71, %swap3A_72, %swap3A_73], %swap3A_76 {strides = array<i32>} : memref<7x1024x512xf32, #tpu.memory_space<vmem>>, vector<1x1024x512xf32>,
    %add3A_77 = arith.constant 1 : i32
    %add3A_78 = arith.addi %arg0, %add3A_77 : i32
    %mul3A_79 = arith.constant 7 : i32
    %mul3A_80 = arith.muli %add3A_78, %mul3A_79 : i32
    %add3A_81 = arith.constant 4 : i32
    %add3A_82 = arith.addi %mul3A_80, %add3A_81 : i32
    %sub3A_83 = arith.constant 5 : i32
    %sub3A_84 = arith.subi %add3A_82, %sub3A_83 : i32
    %get3A_85 = arith.index_cast %sub3A_84 : i32 to index
    %get3A_86 = arith.constant 0 : index
    %get3A_87 = arith.constant 0 : index
    %get3A_88 = vector.load %arg1[%get3A_85, %get3A_86, %get3A_87] : memref<72x1x512xf32, #tpu.memory_space<vmem>>, vector<1x1x512xf32>
    %squeeze3A_89 = vector.shape_cast %get3A_88 : vector<1x1x512xf32> to vector<1x512xf32>
    %broadcast_in_dim3A_90 = vector.shape_cast %squeeze3A_89 : vector<1x512xf32> to vector<1x512xf32>
    %broadcast_in_dim3A_91 = vector.broadcast %broadcast_in_dim3A_90 : vector<1x512xf32> to vector<1024x512xf32>
    %swap3A_92 = arith.constant 4 : index
    %swap3A_93 = arith.constant 0 : index
    %swap3A_94 = arith.constant 0 : index
    %swap3A_95 = vector.load %arg2[%swap3A_92, %swap3A_93, %swap3A_94] : memref<7x1024x512xf32, #tpu.memory_space<vmem>>, vector<1x1024x512xf32>
    %swap3A_96 = vector.shape_cast %swap3A_95 : vector<1x1024x512xf32> to vector<1024x512xf32>
    %swap3A_97 = vector.shape_cast %broadcast_in_dim3A_91 : vector<1024x512xf32> to vector<1x1024x512xf32>
    tpu.vector_store %arg2[%swap3A_92, %swap3A_93, %swap3A_94], %swap3A_97 {strides = array<i32>} : memref<7x1024x512xf32, #tpu.memory_space<vmem>>, vector<1x1024x512xf32>,
    %add3A_98 = arith.constant 1 : i32
    %add3A_99 = arith.addi %arg0, %add3A_98 : i32
    %mul3A_100 = arith.constant 7 : i32
    %mul3A_101 = arith.muli %add3A_99, %mul3A_100 : i32
    %add3A_102 = arith.constant 5 : i32
    %add3A_103 = arith.addi %mul3A_101, %add3A_102 : i32
    %sub3A_104 = arith.constant 5 : i32
    %sub3A_105 = arith.subi %add3A_103, %sub3A_104 : i32
    %get3A_106 = arith.index_cast %sub3A_105 : i32 to index
    %get3A_107 = arith.constant 0 : index
    %get3A_108 = arith.constant 0 : index
    %get3A_109 = vector.load %arg1[%get3A_106, %get3A_107, %get3A_108] : memref<72x1x512xf32, #tpu.memory_space<vmem>>, vector<1x1x512xf32>
    %squeeze3A_110 = vector.shape_cast %get3A_109 : vector<1x1x512xf32> to vector<1x512xf32>
    %broadcast_in_dim3A_111 = vector.shape_cast %squeeze3A_110 : vector<1x512xf32> to vector<1x512xf32>
    %broadcast_in_dim3A_112 = vector.broadcast %broadcast_in_dim3A_111 : vector<1x512xf32> to vector<1024x512xf32>
    %swap3A_113 = arith.constant 5 : index
    %swap3A_114 = arith.constant 0 : index
    %swap3A_115 = arith.constant 0 : index
    %swap3A_116 = vector.load %arg2[%swap3A_113, %swap3A_114, %swap3A_115] : memref<7x1024x512xf32, #tpu.memory_space<vmem>>, vector<1x1024x512xf32>
    %swap3A_117 = vector.shape_cast %swap3A_116 : vector<1x1024x512xf32> to vector<1024x512xf32>
    %swap3A_118 = vector.shape_cast %broadcast_in_dim3A_112 : vector<1024x512xf32> to vector<1x1024x512xf32>
    tpu.vector_store %arg2[%swap3A_113, %swap3A_114, %swap3A_115], %swap3A_118 {strides = array<i32>} : memref<7x1024x512xf32, #tpu.memory_space<vmem>>, vector<1x1024x512xf32>,
    %add3A_119 = arith.constant 1 : i32
    %add3A_120 = arith.addi %arg0, %add3A_119 : i32
    %mul3A_121 = arith.constant 7 : i32
    %mul3A_122 = arith.muli %add3A_120, %mul3A_121 : i32
    %add3A_123 = arith.constant 6 : i32
    %add3A_124 = arith.addi %mul3A_122, %add3A_123 : i32
    %sub3A_125 = arith.constant 5 : i32
    %sub3A_126 = arith.subi %add3A_124, %sub3A_125 : i32
    %get3A_127 = arith.index_cast %sub3A_126 : i32 to index
    %get3A_128 = arith.constant 0 : index
    %get3A_129 = arith.constant 0 : index
    %get3A_130 = vector.load %arg1[%get3A_127, %get3A_128, %get3A_129] : memref<72x1x512xf32, #tpu.memory_space<vmem>>, vector<1x1x512xf32>
    %squeeze3A_131 = vector.shape_cast %get3A_130 : vector<1x1x512xf32> to vector<1x512xf32>
    %broadcast_in_dim3A_132 = vector.shape_cast %squeeze3A_131 : vector<1x512xf32> to vector<1x512xf32>
    %broadcast_in_dim3A_133 = vector.broadcast %broadcast_in_dim3A_132 : vector<1x512xf32> to vector<1024x512xf32>
    %swap3A_134 = arith.constant 6 : index
    %swap3A_135 = arith.constant 0 : index
    %swap3A_136 = arith.constant 0 : index
    %swap3A_137 = vector.load %arg2[%swap3A_134, %swap3A_135, %swap3A_136] : memref<7x1024x512xf32, #tpu.memory_space<vmem>>, vector<1x1024x512xf32>
    %swap3A_138 = vector.shape_cast %swap3A_137 : vector<1x1024x512xf32> to vector<1024x512xf32>
    %swap3A_139 = vector.shape_cast %broadcast_in_dim3A_133 : vector<1024x512xf32> to vector<1x1024x512xf32>
    tpu.vector_store %arg2[%swap3A_134, %swap3A_135, %swap3A_136], %swap3A_139 {strides = array<i32>} : memref<7x1024x512xf32, #tpu.memory_space<vmem>>, vector<1x1024x512xf32>,
    return
  }
  func.func @transform_0(%arg0: i32) -> (i32, i32, i32) {
    %c0_i32 = arith.constant 0 : i32
    %c0_i32_0 = arith.constant 0 : i32
    %c0_i32_1 = arith.constant 0 : i32
    %c0_i32_2 = arith.constant 0 : i32
    return %c0_i32, %c0_i32_0, %c0_i32_1 : i32, i32, i32
  }
  func.func @transform_1(%arg0: i32) -> (i32, i32, i32) {
    %add3A = arith.constant 1 : i32
    %add3A_0 = arith.addi %arg0, %add3A : i32
    %c0_i32 = arith.constant 0 : i32
    %c0_i32_1 = arith.constant 0 : i32
    %c0_i32_2 = arith.constant 0 : i32
    return %add3A_0, %c0_i32, %c0_i32_1 : i32, i32, i32
  }
}

module attributes {stable_mosaic.version = 14 : i64} {
  func.func @body(%arg0: i32, %arg1: memref<128x4x512xf32, #tpu.memory_space<vmem>>, %arg2: memref<1x1x512xf32, #tpu.memory_space<vmem>>, %arg3: memref<2x1x512xf32, #tpu.memory_space<vmem>>, %arg4: memref<77x1024x512xf32, #tpu.memory_space<any>>, %arg5: memref<7x128x512xf32, #tpu.memory_space<vmem>>) attributes {dimension_semantics = [#tpu.dimension_semantics<arbitrary>], iteration_bounds = array<i64: 8>, scalar_prefetch = 0 : i64, scratch_operands = 0 : i64, tpu.core_type = #tpu.core_type<tc>, window_params = [{transform_indices = @transform_0, window_bounds = array<i64: 128, 4, 512>}, {pipeline_mode = #tpu.pipeline_mode<synchronous>, transform_indices = @transform_1, window_bounds = array<i64: 1, 1, 512>}, {transform_indices = @transform_2, window_bounds = array<i64: 2, 1, 512>}, {}, {transform_indices = @transform_4, window_bounds = array<i64: 7, 128, 512>}]} {
    %get3A = arith.constant 0 : index
    %get3A_0 = arith.constant 0 : index
    %get3A_1 = arith.constant 0 : index
    %get3A_2 = vector.load %arg2[%get3A, %get3A_0, %get3A_1] : memref<1x1x512xf32, #tpu.memory_space<vmem>>, vector<1x1x512xf32>
    %get3A_3 = vector.shape_cast %get3A_2 : vector<1x1x512xf32> to vector<1x512xf32>
    %broadcast_in_dim3A = vector.shape_cast %get3A_3 : vector<1x512xf32> to vector<1x512xf32>
    %broadcast_in_dim3A_4 = vector.broadcast %broadcast_in_dim3A : vector<1x512xf32> to vector<128x512xf32>
    %swap3A = arith.constant 0 : index
    %swap3A_5 = arith.constant 0 : index
    %swap3A_6 = arith.constant 0 : index
    %swap3A_7 = vector.load %arg5[%swap3A, %swap3A_5, %swap3A_6] : memref<7x128x512xf32, #tpu.memory_space<vmem>>, vector<1x128x512xf32>
    %swap3A_8 = vector.shape_cast %swap3A_7 : vector<1x128x512xf32> to vector<128x512xf32>
    %swap3A_9 = vector.shape_cast %broadcast_in_dim3A_4 : vector<128x512xf32> to vector<1x128x512xf32>
    tpu.vector_store %arg5[%swap3A, %swap3A_5, %swap3A_6], %swap3A_9 {strides = array<i32>} : memref<7x128x512xf32, #tpu.memory_space<vmem>>, vector<1x128x512xf32>,
    %get3A_10 = arith.constant 0 : index
    %get3A_11 = arith.constant 0 : index
    %get3A_12 = arith.constant 0 : index
    %get3A_13 = vector.load %arg1[%get3A_10, %get3A_11, %get3A_12] : memref<128x4x512xf32, #tpu.memory_space<vmem>>, vector<128x1x512xf32>
    %get3A_14 = vector.shape_cast %get3A_13 : vector<128x1x512xf32> to vector<128x512xf32>
    %swap3A_15 = arith.constant 1 : index
    %swap3A_16 = arith.constant 0 : index
    %swap3A_17 = arith.constant 0 : index
    %swap3A_18 = vector.load %arg5[%swap3A_15, %swap3A_16, %swap3A_17] : memref<7x128x512xf32, #tpu.memory_space<vmem>>, vector<1x128x512xf32>
    %swap3A_19 = vector.shape_cast %swap3A_18 : vector<1x128x512xf32> to vector<128x512xf32>
    %swap3A_20 = vector.shape_cast %get3A_14 : vector<128x512xf32> to vector<1x128x512xf32>
    tpu.vector_store %arg5[%swap3A_15, %swap3A_16, %swap3A_17], %swap3A_20 {strides = array<i32>} : memref<7x128x512xf32, #tpu.memory_space<vmem>>, vector<1x128x512xf32>,
    %get3A_21 = arith.constant 0 : index
    %get3A_22 = arith.constant 1 : index
    %get3A_23 = arith.constant 0 : index
    %get3A_24 = vector.load %arg1[%get3A_21, %get3A_22, %get3A_23] : memref<128x4x512xf32, #tpu.memory_space<vmem>>, vector<128x1x512xf32>
    %get3A_25 = vector.shape_cast %get3A_24 : vector<128x1x512xf32> to vector<128x512xf32>
    %swap3A_26 = arith.constant 2 : index
    %swap3A_27 = arith.constant 0 : index
    %swap3A_28 = arith.constant 0 : index
    %swap3A_29 = vector.load %arg5[%swap3A_26, %swap3A_27, %swap3A_28] : memref<7x128x512xf32, #tpu.memory_space<vmem>>, vector<1x128x512xf32>
    %swap3A_30 = vector.shape_cast %swap3A_29 : vector<1x128x512xf32> to vector<128x512xf32>
    %swap3A_31 = vector.shape_cast %get3A_25 : vector<128x512xf32> to vector<1x128x512xf32>
    tpu.vector_store %arg5[%swap3A_26, %swap3A_27, %swap3A_28], %swap3A_31 {strides = array<i32>} : memref<7x128x512xf32, #tpu.memory_space<vmem>>, vector<1x128x512xf32>,
    %get3A_32 = arith.constant 0 : index
    %get3A_33 = arith.constant 2 : index
    %get3A_34 = arith.constant 0 : index
    %get3A_35 = vector.load %arg1[%get3A_32, %get3A_33, %get3A_34] : memref<128x4x512xf32, #tpu.memory_space<vmem>>, vector<128x1x512xf32>
    %get3A_36 = vector.shape_cast %get3A_35 : vector<128x1x512xf32> to vector<128x512xf32>
    %swap3A_37 = arith.constant 3 : index
    %swap3A_38 = arith.constant 0 : index
    %swap3A_39 = arith.constant 0 : index
    %swap3A_40 = vector.load %arg5[%swap3A_37, %swap3A_38, %swap3A_39] : memref<7x128x512xf32, #tpu.memory_space<vmem>>, vector<1x128x512xf32>
    %swap3A_41 = vector.shape_cast %swap3A_40 : vector<1x128x512xf32> to vector<128x512xf32>
    %swap3A_42 = vector.shape_cast %get3A_36 : vector<128x512xf32> to vector<1x128x512xf32>
    tpu.vector_store %arg5[%swap3A_37, %swap3A_38, %swap3A_39], %swap3A_42 {strides = array<i32>} : memref<7x128x512xf32, #tpu.memory_space<vmem>>, vector<1x128x512xf32>,
    %get3A_43 = arith.constant 0 : index
    %get3A_44 = arith.constant 3 : index
    %get3A_45 = arith.constant 0 : index
    %get3A_46 = vector.load %arg1[%get3A_43, %get3A_44, %get3A_45] : memref<128x4x512xf32, #tpu.memory_space<vmem>>, vector<128x1x512xf32>
    %get3A_47 = vector.shape_cast %get3A_46 : vector<128x1x512xf32> to vector<128x512xf32>
    %swap3A_48 = arith.constant 4 : index
    %swap3A_49 = arith.constant 0 : index
    %swap3A_50 = arith.constant 0 : index
    %swap3A_51 = vector.load %arg5[%swap3A_48, %swap3A_49, %swap3A_50] : memref<7x128x512xf32, #tpu.memory_space<vmem>>, vector<1x128x512xf32>
    %swap3A_52 = vector.shape_cast %swap3A_51 : vector<1x128x512xf32> to vector<128x512xf32>
    %swap3A_53 = vector.shape_cast %get3A_47 : vector<128x512xf32> to vector<1x128x512xf32>
    tpu.vector_store %arg5[%swap3A_48, %swap3A_49, %swap3A_50], %swap3A_53 {strides = array<i32>} : memref<7x128x512xf32, #tpu.memory_space<vmem>>, vector<1x128x512xf32>,
    %get3A_54 = arith.constant 0 : index
    %get3A_55 = arith.constant 0 : index
    %get3A_56 = arith.constant 0 : index
    %get3A_57 = vector.load %arg3[%get3A_54, %get3A_55, %get3A_56] : memref<2x1x512xf32, #tpu.memory_space<vmem>>, vector<1x1x512xf32>
    %get3A_58 = vector.shape_cast %get3A_57 : vector<1x1x512xf32> to vector<512xf32>
    %broadcast_in_dim3A_59 = vector.shape_cast %get3A_58 : vector<512xf32> to vector<1x512xf32>
    %broadcast_in_dim3A_60 = vector.broadcast %broadcast_in_dim3A_59 : vector<1x512xf32> to vector<128x512xf32>
    %swap3A_61 = arith.constant 5 : index
    %swap3A_62 = arith.constant 0 : index
    %swap3A_63 = arith.constant 0 : index
    %swap3A_64 = vector.load %arg5[%swap3A_61, %swap3A_62, %swap3A_63] : memref<7x128x512xf32, #tpu.memory_space<vmem>>, vector<1x128x512xf32>
    %swap3A_65 = vector.shape_cast %swap3A_64 : vector<1x128x512xf32> to vector<128x512xf32>
    %swap3A_66 = vector.shape_cast %broadcast_in_dim3A_60 : vector<128x512xf32> to vector<1x128x512xf32>
    tpu.vector_store %arg5[%swap3A_61, %swap3A_62, %swap3A_63], %swap3A_66 {strides = array<i32>} : memref<7x128x512xf32, #tpu.memory_space<vmem>>, vector<1x128x512xf32>,
    %get3A_67 = arith.constant 1 : index
    %get3A_68 = arith.constant 0 : index
    %get3A_69 = arith.constant 0 : index
    %get3A_70 = vector.load %arg3[%get3A_67, %get3A_68, %get3A_69] : memref<2x1x512xf32, #tpu.memory_space<vmem>>, vector<1x1x512xf32>
    %get3A_71 = vector.shape_cast %get3A_70 : vector<1x1x512xf32> to vector<512xf32>
    %broadcast_in_dim3A_72 = vector.shape_cast %get3A_71 : vector<512xf32> to vector<1x512xf32>
    %broadcast_in_dim3A_73 = vector.broadcast %broadcast_in_dim3A_72 : vector<1x512xf32> to vector<128x512xf32>
    %swap3A_74 = arith.constant 6 : index
    %swap3A_75 = arith.constant 0 : index
    %swap3A_76 = arith.constant 0 : index
    %swap3A_77 = vector.load %arg5[%swap3A_74, %swap3A_75, %swap3A_76] : memref<7x128x512xf32, #tpu.memory_space<vmem>>, vector<1x128x512xf32>
    %swap3A_78 = vector.shape_cast %swap3A_77 : vector<1x128x512xf32> to vector<128x512xf32>
    %swap3A_79 = vector.shape_cast %broadcast_in_dim3A_73 : vector<128x512xf32> to vector<1x128x512xf32>
    tpu.vector_store %arg5[%swap3A_74, %swap3A_75, %swap3A_76], %swap3A_79 {strides = array<i32>} : memref<7x128x512xf32, #tpu.memory_space<vmem>>, vector<1x128x512xf32>,
    return
  }
  func.func @transform_0(%arg0: i32) -> (i32, i32, i32) {
    %c0_i32 = arith.constant 0 : i32
    %c0_i32_0 = arith.constant 0 : i32
    %c0_i32_1 = arith.constant 0 : i32
    return %arg0, %c0_i32, %c0_i32_0 : i32, i32, i32
  }
  func.func @transform_1(%arg0: i32) -> (i32, i32, i32) {
    %c0_i32 = arith.constant 0 : i32
    %c0_i32_0 = arith.constant 0 : i32
    %c0_i32_1 = arith.constant 0 : i32
    %c0_i32_2 = arith.constant 0 : i32
    return %c0_i32, %c0_i32_0, %c0_i32_1 : i32, i32, i32
  }
  func.func @transform_2(%arg0: i32) -> (i32, i32, i32) {
    %c0_i32 = arith.constant 0 : i32
    %c0_i32_0 = arith.constant 0 : i32
    %c0_i32_1 = arith.constant 0 : i32
    %c0_i32_2 = arith.constant 0 : i32
    return %c0_i32, %c0_i32_0, %c0_i32_1 : i32, i32, i32
  }
  func.func @transform_4(%arg0: i32) -> (i32, i32, i32) {
    %c0_i32 = arith.constant 0 : i32
    %c0_i32_0 = arith.constant 0 : i32
    %c0_i32_1 = arith.constant 0 : i32
    return %c0_i32, %arg0, %c0_i32_0 : i32, i32, i32
  }
}

</mosaic_0001>

<sc_bundles>
// kernel: kernel.5.cloned.1.call-start
scs
__scs_entry_jumppad:
0x0: {  	(pc) =	sbr.rel $0x88, $3  }
0x1: {  	(tag) =	ssettag $0x0;
	lr =	simm.s32 $0x1  }
0x2: {  	[smem:$0x3F9D] =	sst lr;
	_ =	strace $0xD0000000  }
0x3: {  	_ = 	snop  }
0x4: {  	_ = 	snop  }
0x5: {  	_ = 	snop  }
0x6: {  	_ = 	snop  }
0x7: {  	_ = 	snop  }
__scs_overlays_trampoline_lowered:
0x8: {  	[smem:$0x3FAC] =	sst s0  }
0x9: {  	[smem:$0x3FAD] =	sst s1  }
0xa: {  	[smem:$0x3FAE] =	sst s2  }
0xb: {  	[smem:$0x3FAF] =	sst s3  }
0xc: {  	[smem:$0x3FB0] =	sst s4  }
0xd: {  	[smem:$0x3FB1] =	sst s5  }
0xe: {  	[smem:$0x3FB2] =	sst s6  }
0xf: {  	[smem:$0x3FB3] =	sst s7  }
0x10: {  	[smem:$0x3FB4] =	sst s8  }
0x11: {  	[smem:$0x3FB5] =	sst s9;
	s0 =	simm.s32 @!p0 $0x0  }
0x12: {  	s1 =	sld [smem:$0x3F9B];
	s0 =	simm.s32 @p0 $0x1  }
0x13: {  	[smem:$0x3FB6] =	sst s0;
	s0 =	simm.s32 @!p1 $0x0  }
0x14: {  	s2 =	sld [smem:$0x3F9A];
	s0 =	simm.s32 @p1 $0x1  }
0x15: {  	[smem:$0x3FB7] =	sst s0;
	s0 =	simm.s32 @!p2 $0x0  }
0x16: {  	s3 =	sld [smem:$0x3FDB];
	s0 =	simm.s32 @p2 $0x1  }
0x17: {  	s4 =	simm.s32 $0x1BF5;
	[smem:$0x3FB9] =	sst s0  }
0x18: {  	s0 =	sld [smem:$0x3F9C];
	_ =	swait.ge [sflag:s4], $0x0  }
0x19: {  	s7 =	sld [smem:$0x3F9D]  }
0x1a: {  	s8 =	sadd.s32 $0xFFFFE003, lr  }
0x1b: {  	s9 =	sadd.s32 $0xFFFFFEF7, lr;
	s5 =	simm.s32 $0xFFFFFFFF;
	p2 =	slt.u32 s8, $0xFFFFF086  }
0x1c: {  	p1 =	slt.u32 s9, $0xF7A;
	s5 =	simm.s32 @!p2 $0x0  }
0x1d: {  	s5 =	simm.s32 @p1 $0x1;
	p0 =	seq.s32 s7, s2  }
0x1e: {  	s7 =	smul.u32 @!p0 $0xF7A, s2;
	p2 =	seq.s32 @!p0 s5, $0x0  }
0x1f: {  	s9 =	smul.u32 $0xF7A, s1;
	s8 =	simm.s32 @!p0 $0x1BF5;
	p2 =	por !p2, p0  }
0x20: {  	[sflag:s8] =	ssyncset.s32 @!p0 $0xFFFFF086;
	s6 =	sadd.s32 @!p0 s3, s7;
	s7 =	simm.s32 @!p0 $0x108  }
0x21: {  	s3 =	sadd.s32 s3, s9;
	s6 =	sadd.s32 @!p0 $0x88, s6;
	s7 =	simm.s32 @p2 $0x1082  }
0x22: {  	[simem:s7], [sflag:s8] =	dma.local @!p0 [hbm:s6], $0xF7A  }
0x23: {  	s9 =	sor.u32 $0xD0000000, s2;
	s6 =	simm.s32 $0x108;
	_ =	swait.ge @!p0 [sflag:s8], $0x0  }
0x24: {  	s3 =	sadd.s32 $0x88, s3;
	s6 =	simm.s32 @!p1 $0x1082;
	[sflag:s4] =	ssyncset.s32 $0xFFFFF086  }
0x25: {  	[simem:s6], [sflag:s4] =	dma.local [hbm:s3], $0xF7A  }
0x26: {  	[smem:$0x3F9D] =	sst s1;
	(tag) =	ssettag s2;
	_ =	strace s9  }
0x27: {  	s1 =	sld [smem:$0x3FAD]  }
0x28: {  	s2 =	sld [smem:$0x3FAE]  }
0x29: {  	s4 =	sld [smem:$0x3FB0]  }
0x2a: {  	p0 =	seq.s32 s5, $0x0;
	s5 =	sld [smem:$0x3FB1]  }
0x2b: {  	s6 =	sld [smem:$0x3FB2]  }
0x2c: {  	s7 =	sld [smem:$0x3FB3]  }
0x2d: {  	s3 =	simm.s32 $0x108;
	s8 =	sld [smem:$0x3FB4]  }
0x2e: {  	s3 =	simm.s32 @!p0 $0x1082;
	s9 =	sld [smem:$0x3FB5]  }
0x2f: {  	lr =	sadd.s32 s0, s3;
	s0 =	sld [smem:$0x3FAC]  }
0x30: {  	s3 =	sld [smem:$0x3FAF]  }
0x31: {  	[smem:$0x3FB8] =	sst s10  }
0x32: {  	s10 =	sld [smem:$0x3FB6];
	_ =	sdelay $0x3  }
0x33: {  	p0 =	seq.s32 s10, $0x1;
	s10 =	sld [smem:$0x3FB8];
	_ =	sdelay $0x3  }
0x34: {  	[smem:$0x3FB8] =	sst s10  }
0x35: {  	s10 =	sld [smem:$0x3FB7];
	_ =	sdelay $0x3  }
0x36: {  	p1 =	seq.s32 s10, $0x1;
	s10 =	sld [smem:$0x3FB8];
	_ =	sdelay $0x3  }
0x37: {  	[smem:$0x3FB8] =	sst s10  }
0x38: {  	s10 =	sld [smem:$0x3FB9]  }
0x39: {  	_ = 	snop;
	(pc) =	sbr.ind lr, $3  }
0x3a: {  	_ = 	snop  }
0x3b: {  	_ = 	snop  }
0x3c: {  	p2 =	seq.s32 s10, $0x1;
	s10 =	sld [smem:$0x3FB8]  }
0x3d: {  	_ =	shalt  }
0x3e: {  	_ =	shalt  }
0x3f: {  	_ =	shalt  }
0x40: {  	_ =	shalt  }
0x41: {  	_ =	shalt  }
0x42: {  	_ =	shalt  }
0x43: {  	_ =	shalt  }
0x44: {  	_ =	shalt  }
0x45: {  	_ =	shalt  }
0x46: {  	_ =	shalt  }
0x47: {  	_ =	shalt  }
0x48: {  	_ =	shalt  }
0x49: {  	_ =	shalt  }
0x4a: {  	_ =	shalt  }
0x4b: {  	_ =	shalt  }
0x4c: {  	_ =	shalt  }
0x4d: {  	_ =	shalt  }
0x4e: {  	_ =	shalt  }
0x4f: {  	_ =	shalt  }
0x50: {  	_ =	shalt  }
0x51: {  	_ =	shalt  }
0x52: {  	_ =	shalt  }
0x53: {  	_ =	shalt  }
0x54: {  	_ =	shalt  }
0x55: {  	_ =	shalt  }
0x56: {  	_ =	shalt  }
0x57: {  	_ =	shalt  }
0x58: {  	_ =	shalt  }
0x59: {  	_ =	shalt  }
0x5a: {  	_ =	shalt  }
0x5b: {  	_ =	shalt  }
0x5c: {  	_ =	shalt  }
0x5d: {  	_ =	shalt  }
0x5e: {  	_ =	shalt  }
0x5f: {  	_ =	shalt  }
0x60: {  	_ =	shalt  }
0x61: {  	_ =	shalt  }
0x62: {  	_ =	shalt  }
0x63: {  	_ =	shalt  }
0x64: {  	_ =	shalt  }
0x65: {  	_ =	shalt  }
0x66: {  	_ =	shalt  }
0x67: {  	_ =	shalt  }
0x68: {  	_ =	shalt  }
0x69: {  	_ =	shalt  }
0x6a: {  	_ =	shalt  }
0x6b: {  	_ =	shalt  }
0x6c: {  	_ =	shalt  }
0x6d: {  	_ =	shalt  }
0x6e: {  	_ =	shalt  }
0x6f: {  	_ =	shalt  }
0x70: {  	_ =	shalt  }
0x71: {  	_ =	shalt  }
0x72: {  	_ =	shalt  }
0x73: {  	_ =	shalt  }
0x74: {  	_ =	shalt  }
0x75: {  	_ =	shalt  }
0x76: {  	_ =	shalt  }
0x77: {  	_ =	shalt  }
0x78: {  	_ =	shalt  }
0x79: {  	_ =	shalt  }
0x7a: {  	_ =	shalt  }
0x7b: {  	_ =	shalt  }
0x7c: {  	_ =	shalt  }
0x7d: {  	_ =	shalt  }
0x7e: {  	_ =	shalt  }
0x7f: {  	_ =	shalt  }
0x80: {  	_ =	shalt  }
0x81: {  	_ =	shalt  }
0x82: {  	_ =	shalt  }
0x83: {  	_ =	shalt  }
0x84: {  	_ =	shalt  }
0x85: {  	_ =	shalt  }
0x86: {  	_ =	shalt  }
0x87: {  	_ =	shalt  }
.Lfunc_end0:
.L_simem_size_0:
called_computation_lowered:
.L_overlay_start_0:
0x88: {  	s2 =	sld [smem:$0x3FD9]  }
0x89: {  	s3 =	sld [smem:$0x3FFE];
	_ =	sdelay $0x1  }
0x8a: {  	s1 =	srdreg.scid  }
0x8b: {  	s0 =	sand.u32 $0x1, s1  }
0x8c: {  	s17 =	sshll.u32 s0, $0xA;
	s2 =	sadd.s32 s3, s2  }
0x8d: {  	s2 =	sadd.s32 s2, s17  }
0x8e: {  	[smem:$0x3FC4] =	sst s2  }
0x8f: {  	_ = 	snop  }
0x90: {  	s2 =	sld [smem:$0x3FC9]  }
0x91: {  	s18 =	sld [smem:$0x3FC8];
	(tm) =	ssettm $0x1  }
0x92: {  	s4 =	sld [smem:$0x3FFB];
	_ =	sdelay $0x3  }
0x93: {  	_ =	strace s4  }
0x94: {  	s4 =	sld [smem:$0x3FFC];
	_ =	sdelay $0x3  }
0x95: {  	_ =	strace s4  }
0x96: {  	s4 =	sld [smem:$0x3FFD];
	_ =	sdelay $0x3  }
0x97: {  	_ =	strace s4  }
0x98: {  	_ =	strace $0x8FFFFFFF  }
0x99: {  	s19 =	sld [smem:$0x3FDB];
	_ =	sdelay $0x1  }
0x9a: {  	s5 =	simm.s32 $_scs_section_size  }
0x9b: {  	s6 =	simm.s32 $_size__tile_overlayer_lowered;
	s7 =	simm.s32 $_tile_overlayer_lowered  }
0x9c: {  	s22 =	simm.s32 $0x1BFF;
	s21 =	sshll.u32 s7, $0x1;
	s4 =	sadd.s32 s5, s19  }
0x9d: {  	s8 =	simm.s32 $0x0;
	s20 =	sshll.u32 s6, $0x1;
	s6 =	sadd.s32 s21, s4  }
0x9e: {  	[timem:s8], [sflag:s22] =	dma.local [hbm:s6], s20  }
0x9f: {  	_ =	swait.ge [sflag:s22], s20  }
0xa0: {  	s5 =	ssub.s32 $0x0, s20;
	[sflag:s22] =	ssyncset.done $0x0  }
0xa1: {  	[sflag:s22] =	ssyncadd.s32 s5;
	_ =	sdelay $0x1  }
0xa2: {  	s23 =	simm.s32 $0x1B8B  }
0xa3: {  	_ =	swait.ge [sflag:s23], $0x1  }
0xa4: {  	[sflag:s23] =	ssyncset.done $0x0  }
0xa5: {  	s25 =	simm.s32 $0x1B8E;
	s24 =	sld [smem:$0x3FFE];
	[sflag:s23] =	ssyncadd.s32 $0xFFFFFFFF  }
0xa6: {  	s26 =	simm.s32 $execute0_lowered;
	[smem:$0x3FD2] =	sst s25  }
0xa7: {  	s6 =	sshll.u32 s26, $0x1;
	_ =	strace $0x80000046;
	[dreg:$0x1] =	wrdreg $0xFFFFFFFF  }
0xa8: {  	s28 =	simm.s32 $_size_execute0_lowered;
	s4 =	sadd.s32 s4, s6;
	[dreg:$0x0] =	wrdreg $0x0  }
0xa9: {  	s6 =	sshll.u32 s28, $0x1;
	[dreg:$0x2] =	wrdreg s4  }
0xaa: {  	[dreg:$0x3] =	wrdreg s6  }
0xab: {  	[dreg:$0x4] =	wrdreg $0xC0  }
0xac: {  	_ =	task [dreg:s8], $0x5FFFF  }
0xad: {  	[dreg:$0x1] =	wrdreg $0xFFFFFFFF  }
0xae: {  	[dreg:$0x0] =	wrdreg $0x60  }
0xaf: {  	[dreg:$0x2] =	wrdreg s2  }
0xb0: {  	[dreg:$0x3] =	wrdreg s18  }
0xb1: {  	[dreg:$0x4] =	wrdreg s24  }
0xb2: {  	[dreg:$0x5] =	wrdreg $0x9  }
0xb3: {  	_ =	task.clear_ibuf [dreg:s8], $0x6FFFF;
	_ =	strace $0x90000046  }
0xb4: {  	s29 =	simm.s32 $0x9;
	_ =	strace $0x80000048  }
0xb5: {  	_ =	swait.ge [sflag:s29], $0x1  }
0xb6: {  	[sflag:s29] =	ssyncadd.s32 $0xFFFFFFFF  }
0xb7: {  	_ =	strace $0x90000048  }
0xb8: {  	_ =	sfence  }
0xb9: {  	s30 =	sld [smem:$0x0];
	_ =	sdelay $0x2  }
0xba: {  	s31 =	sshll.u32 s1, $0xD;
	s1 =	sshrl.u32 s1, $0x2  }
0xbb: {  	s3 =	sand.u32 $0x4000, s31;
	s1 =	sadd.s32 s1, s30  }
0xbc: {  	s0 =	sor.u32 s3, s0;
	s1 =	sshll.u32 s1, $0x11  }
0xbd: {  	s0 =	sor.u32 s1, s0  }
0xbe: {  	s0 =	sadd.s32 $0x8F2B, s0  }
0xbf: {  	[sflag:s0] =	ssyncadd.remote.s32 $0x1  }
0xc0: {  	_ =	sfence.sel $0xFFFF  }
0xc1: {  	[dreg:$0x0] =	wrdreg $0xFFFFFFFF;
	(pc) =	sbr.abs _section_cstart, $3  }
0xc2: {  	[dreg:$0x1] =	wrdreg $0xFFFFFFFF  }
0xc3: {  	_ =	task.clear_ibuf [dreg:s8], $0x2FFFF;
	_ =	strace $0x9FFFFFFF  }
0xc4: {  	(tm) =	ssettm $0x7FFFFFFF  }
0xc5: {  	_ =	shalt  }
tec
execute0_lowered:
.L_overlay_start_1:
0x0: {  	(tag) =	ssettag $0x1  }
0x1: {  	s4 =	rddreg [dreg:$0x0]  }
0x2: {  	s1 =	rddreg [dreg:$0x1]  }
0x3: {  	s5 =	rddreg [dreg:$0x2]  }
0x4: {  	s0 =	rddreg [dreg:$0x3];
	s6 =	srdreg.scid  }
0x5: {  	s3 =	simm.s32 $0x0;
	s2 =	stileid.u32;
	s6 =	sand.u32 $0x1, s6  }
0x6: {  	s10 =	simm.s32 $0x1;
	s7 =	sshll.u32 s2, $0x6;
	s8 =	sshll.u32 s6, $0x5  }
0x7: {  	[smem:$0x7FF] =	sst s3;
	s6 =	ssub.s32 $0x2, s6;
	s7 =	sor.u32 s8, s7  }
0x8: {  	_ =	strace $0x80000047;
	s9 =	sshrl.u32 s6, $0x1;
	s8 =	sshll.u32 s7, $0x8  }
0x9: {  	s7 =	sshrl.u32 s7, $0x3;
	s6 =	ssub.s32 s6, s9;
	s9 =	simm.s32 $0x8080  }
0xa: {  	s5 =	sadd.s32 s8, s5;
	s4 =	sadd.s32 s4, s7;
	s6 =	smax.u32 s6, $0x1  }
0xb: {  	v0 =	vlaneseq.u32;
	vm0 =	vmmov $0xffff;
	s7 =	simm.s32 $0x2;
	s8 =	simm.s32 $0x80;
	s5 =	sadd.s32 $0xA00, s5  }
.LBB2_1:
0xc: {  	[tilespmem:s3], [sflag:$0x2] =	stream.linear.gather [hbm4b:s4+s3], $0x20, $0x38;
	[tilespmem:$0x10080] =	vst v63  }
0xd: {  	_ =	swait.ge [sflag:s7], $0x20  }
0xe: {  	[sflag:s7] =	ssyncset.done $0x0  }
0xf: {  	[sflag:s7] =	ssyncadd.s32 $0xFFFFFFE0  }
0x10: {  	v1 =	vld [tilespmem:$0x0];
	_ =	sdelay $0x4  }
0x11: {  	v1 =	vshll.u32 v1, $0xB  }
0x12: {  	v1 =	vperm.xlane v1, v0;
	_ =	sdelay $0x5  }
0x13: {  	[tilespmem:s8], [sflag:$0x1] =	stream.indirect_vreg.gather [hbm4b:s1+s3], $0x800, v1, vm0, $0x38;
	[tilespmem:$0x10080] =	vst v63  }
0x14: {  	v1 =	vld [tilespmem:$0x10];
	_ =	sdelay $0x4  }
0x15: {  	v1 =	vshll.u32 v1, $0xB  }
0x16: {  	v1 =	vperm.xlane v1, v0;
	_ =	sdelay $0x5  }
0x17: {  	[tilespmem:s9], [sflag:$0x1] =	stream.indirect_vreg.gather [hbm4b:s1+s3], $0x800, v1, vm0, $0x38;
	[tilespmem:$0x10080] =	vst v63  }
0x18: {  	_ =	swait.ge [sflag:s10], $0x10000  }
0x19: {  	p0 =	sne.s32 s6, $0x1;
	[sflag:s10] =	ssyncset.done $0x0  }
.Ltmp0:
0x1a: {  	[sflag:s10] =	ssyncadd.s32 $0xFFFF0000;
	(pc) =	sbr.rel @p0 .LBB2_1-.Ltmp0, $4  }
0x1b: {  	[hbm4b:s5+s3] =	stream.linear.scatter [tilespmem:s8], [sflag:$0x2], $0x10000, $0x38;
	[tilespmem:$0x10080] =	vst v63  }
0x1c: {  	_ =	swait.ge [sflag:s7], $0x10000  }
0x1d: {  	[sflag:s7] =	ssyncset.done $0x0  }
0x1e: {  	s6 =	sadd.s32 $0xFFFFFFFF, s6;
	[sflag:s7] =	ssyncadd.s32 $0xFFFF0000  }
0x1f: {  	_ =	sfence.sel $0x180000  }
0x20: {  	[bflag:$0x0] =	sbarrier.arrive $0xFFFF  }
0x21: {  	p0 =	sne.s32 s2, $0x0;
	_ =	strace $0x90000047  }
0x22: {  	s0 =	sadd.s32 @!p0 $0x100000, s0;
	[bflag:$0x2] =	sbarrier.arrive $0xFFFF  }
0x23: {  	[sflag:s0] =	ssyncadd.tile.s32 @!p0 $0x1;
	_ =	shalt  }
.Lfunc_end2:
_tile_overlayer_lowered:
.L_overlay_start_2:
0x24: {  	(tag) =	ssettag $0x2  }
0x25: {  	s0 =	rddreg [dreg:$0x0];
	s2 =	stileid.u32  }
0x26: {  	s1 =	rddreg [dreg:$0x1];
	p0 =	sne.s32 s2, $0x0  }
0x27: {  	s3 =	rddreg [dreg:$0x2];
	[bflag:$0x3] =	sbarrier.arrive $0xFFFF;
	s2 =	simm.s32 @!p0 $0x1C02  }
0x28: {  	[timem:s3], [sflag:s2] =	dma.local @!p0 [hbm:s0], s1  }
0x29: {  	s0 =	simm.s32 @!p0 $0x2  }
0x2a: {  	_ =	swait.ge @!p0 [sflag:s0], s1  }
0x2b: {  	s1 =	ssub.s32 @!p0 $0x0, s1;
	[sflag:s0] =	ssyncset.done @!p0 $0x0  }
0x2c: {  	[sflag:s0] =	ssyncadd.s32 @!p0 s1  }
0x2d: {  	[bflag:$0x3] =	sbarrier.arrive $0xFFFF  }
0x2e: {  	_ =	shalt  }

</sc_bundles>
